<compile_context>
chip_gen: v7x
topology: tpu7x:2x2x1
jax: 0.10.2.dev20260603
libtpu: 0.0.44.dev20260713+nightly
codegen_flags: <defaults>
</compile_context>

<pallas_src>
import functools

import jax
import jax.numpy as jnp
from jax import lax
from jax.experimental import pallas as pl
from jax.experimental.pallas import tpu as pltpu
from jax.experimental.pallas import tpu_sc as plsc

_ROWS = 8192
_DIM = 1024
_N_WORKERS = 32
_ROWS_PER_WORKER = _ROWS // _N_WORKERS
_CHUNK_ROWS = 40
_CHUNKS = [40, 40, 40, 40, 40, 40, 16]
_N_CHUNKS = len(_CHUNKS)
_OFFSETS = [sum(_CHUNKS[:k]) for k in range(_N_CHUNKS)]
_N_BUFS = 3

_mesh = plsc.VectorSubcoreMesh(core_axis_name="c", subcore_axis_name="s")


@functools.partial(
    pl.kernel,
    mesh=_mesh,
    out_type=jax.ShapeDtypeStruct((_ROWS, _DIM), jnp.float32),
    scratch_types=[pltpu.VMEM((_CHUNK_ROWS, _DIM), jnp.float32)] * _N_BUFS
    + [pltpu.SemaphoreType.DMA] * (2 * _N_BUFS),
)
def _sc_copy(w_hbm, out_hbm, *scratch):
    bufs = scratch[:_N_BUFS]
    in_sems = scratch[_N_BUFS : 2 * _N_BUFS]
    out_sems = scratch[2 * _N_BUFS :]
    wid = lax.axis_index("s") * 2 + lax.axis_index("c")
    base = wid * _ROWS_PER_WORKER

    in_copies = [
        pltpu.make_async_copy(
            w_hbm.at[pl.ds(base + _OFFSETS[k], _CHUNKS[k])],
            bufs[k % _N_BUFS].at[pl.ds(0, _CHUNKS[k])],
            in_sems[k % _N_BUFS],
        )
        for k in range(_N_CHUNKS)
    ]
    out_copies = [
        pltpu.make_async_copy(
            bufs[k % _N_BUFS].at[pl.ds(0, _CHUNKS[k])],
            out_hbm.at[pl.ds(base + _OFFSETS[k], _CHUNKS[k])],
            out_sems[k % _N_BUFS],
        )
        for k in range(_N_CHUNKS)
    ]

    in_copies[0].start()
    in_copies[1].start()
    for k in range(_N_CHUNKS):
        if k + 2 < _N_CHUNKS:
            if k >= 1:
                out_copies[k - 1].wait()
            in_copies[k + 2].start()
        in_copies[k].wait()
        out_copies[k].start()
    for k in range(max(0, _N_CHUNKS - 3), _N_CHUNKS):
        out_copies[k].wait()


def kernel(x, W):
    out = _sc_copy(W)
    return out[None, :, :]

# --- scband reference (transcript-rebuilt; emitter-appended) ---
"""Pipeline reference for scband-absolute-positional-embedding-70102456206036 (READ-ONLY COPY).

The authoritative reference and input builder live on the scoring server;
editing this copy changes nothing except your own understanding.
"""

import jax, jax.numpy as jnp
import numpy as np

DIM = 1024
MAX_SEQ_LEN = 8192

def setup_inputs(seed: int = 0) -> dict:
    key = jax.random.key(seed)
    k1, k2 = jax.random.split(key)
    x = jax.random.normal(k1, (4, 8192, DIM), dtype=jnp.float32)
    # nn.Embedding weight initialized with normal std=0.02
    W = jax.random.normal(k2, (MAX_SEQ_LEN, DIM), dtype=jnp.float32) * 0.02
    return {"x": x, "W": W}

def reference(x, W):
    n = jnp.arange(x.shape[1])
    out = jnp.take(W, n, axis=0)  # embedding lookup of positions
    return out[None, :, :]

if __name__ == "__main__":
    import jax
    _d = setup_inputs()
    print(jax.jit(kernel)(*tuple(_d.values())))

</pallas_src>

<mosaic_0001>
#map = affine_map<(d0, d1) -> (0, 0)>
module attributes {stable_mosaic.version = 14 : i64} {
  func.func @_sc_copy(%arg0: i32, %arg1: i32, %arg2: memref<8192x1024xf32, #tpu.memory_space<hbm>>, %arg3: memref<8192x1024xf32, #tpu.memory_space<hbm>>, %arg4: memref<40x1024xf32, #tpu.memory_space<vmem>>, %arg5: memref<40x1024xf32, #tpu.memory_space<vmem>>, %arg6: memref<40x1024xf32, #tpu.memory_space<vmem>>, %arg7: memref<!tpu.dma_semaphore, #tpu.memory_space<semaphore_mem>>, %arg8: memref<!tpu.dma_semaphore, #tpu.memory_space<semaphore_mem>>, %arg9: memref<!tpu.dma_semaphore, #tpu.memory_space<semaphore_mem>>, %arg10: memref<!tpu.dma_semaphore, #tpu.memory_space<semaphore_mem>>, %arg11: memref<!tpu.dma_semaphore, #tpu.memory_space<semaphore_mem>>, %arg12: memref<!tpu.dma_semaphore, #tpu.memory_space<semaphore_mem>>) attributes {dimension_semantics = [#tpu.dimension_semantics<core_parallel>, #tpu.dimension_semantics<subcore_parallel>], iteration_bounds = array<i64: 2, 16>, scalar_prefetch = 0 : i64, scratch_operands = 9 : i64, tpu.core_type = #tpu.core_type<sc_vector_subcore>, window_params = [{transform_indices = #map}, {transform_indices = #map}]} {
    %mul3A = arith.constant 2 : i32
    %mul3A_0 = arith.muli %arg1, %mul3A : i32
    %add3A = arith.addi %mul3A_0, %arg0 : i32
    %mul3A_1 = arith.constant 256 : i32
    %mul3A_2 = arith.muli %add3A, %mul3A_1 : i32
    %add3A_3 = arith.constant 0 : i32
    %add3A_4 = arith.addi %mul3A_2, %add3A_3 : i32
    %add3A_5 = arith.constant 40 : i32
    %add3A_6 = arith.addi %mul3A_2, %add3A_5 : i32
    %add3A_7 = arith.constant 80 : i32
    %add3A_8 = arith.addi %mul3A_2, %add3A_7 : i32
    %add3A_9 = arith.constant 120 : i32
    %add3A_10 = arith.addi %mul3A_2, %add3A_9 : i32
    %add3A_11 = arith.constant 160 : i32
    %add3A_12 = arith.addi %mul3A_2, %add3A_11 : i32
    %add3A_13 = arith.constant 200 : i32
    %add3A_14 = arith.addi %mul3A_2, %add3A_13 : i32
    %add3A_15 = arith.constant 240 : i32
    %add3A_16 = arith.addi %mul3A_2, %add3A_15 : i32
    %add3A_17 = arith.constant 0 : i32
    %add3A_18 = arith.addi %mul3A_2, %add3A_17 : i32
    %add3A_19 = arith.constant 40 : i32
    %add3A_20 = arith.addi %mul3A_2, %add3A_19 : i32
    %add3A_21 = arith.constant 80 : i32
    %add3A_22 = arith.addi %mul3A_2, %add3A_21 : i32
    %add3A_23 = arith.constant 120 : i32
    %add3A_24 = arith.addi %mul3A_2, %add3A_23 : i32
    %add3A_25 = arith.constant 160 : i32
    %add3A_26 = arith.addi %mul3A_2, %add3A_25 : i32
    %add3A_27 = arith.constant 200 : i32
    %add3A_28 = arith.addi %mul3A_2, %add3A_27 : i32
    %add3A_29 = arith.constant 240 : i32
    %add3A_30 = arith.addi %mul3A_2, %add3A_29 : i32
    %dma_start3A = arith.constant 0 : i32
    %dma_start3A_31 = arith.constant 0 : i32
    %dma_start3A_32 = tpu.memref_slice %arg4[%dma_start3A, %dma_start3A_31] : memref<40x1024xf32, #tpu.memory_space<vmem>> -> memref<40x1024xf32, #tpu.memory_space<vmem>>
    %dma_start3A_33 = arith.constant 0 : i32
    %dma_start3A_34 = tpu.memref_slice %arg2[%add3A_4, %dma_start3A_33] : memref<8192x1024xf32, #tpu.memory_space<hbm>> -> memref<40x1024xf32, #tpu.memory_space<hbm>>
    %dma_start3A_35 = arith.constant 0 : i32
    %dma_start3A_36 = arith.constant 0 : i32
    %dma_start3A_37 = tpu.memref_slice %arg4[%dma_start3A_35, %dma_start3A_36] : memref<40x1024xf32, #tpu.memory_space<vmem>> -> memref<40x1024xf32, #tpu.memory_space<vmem>>
    %dma_start3A_38 = arith.constant 0 : i32
    %dma_start3A_39 = tpu.memref_slice %arg2[%add3A_4, %dma_start3A_38] : memref<8192x1024xf32, #tpu.memory_space<hbm>> -> memref<40x1024xf32, #tpu.memory_space<hbm>>
    tpu.enqueue_dma source(%dma_start3A_39 : memref<40x1024xf32, #tpu.memory_space<hbm>>) target(%dma_start3A_37 : memref<40x1024xf32, #tpu.memory_space<vmem>>) target_semaphore(%arg7 : memref<!tpu.dma_semaphore, #tpu.memory_space<semaphore_mem>>)
    %dma_start3A_40 = arith.constant 0 : i32
    %dma_start3A_41 = arith.constant 0 : i32
    %dma_start3A_42 = tpu.memref_slice %arg5[%dma_start3A_40, %dma_start3A_41] : memref<40x1024xf32, #tpu.memory_space<vmem>> -> memref<40x1024xf32, #tpu.memory_space<vmem>>
    %dma_start3A_43 = arith.constant 0 : i32
    %dma_start3A_44 = tpu.memref_slice %arg2[%add3A_6, %dma_start3A_43] : memref<8192x1024xf32, #tpu.memory_space<hbm>> -> memref<40x1024xf32, #tpu.memory_space<hbm>>
    %dma_start3A_45 = arith.constant 0 : i32
    %dma_start3A_46 = arith.constant 0 : i32
    %dma_start3A_47 = tpu.memref_slice %arg5[%dma_start3A_45, %dma_start3A_46] : memref<40x1024xf32, #tpu.memory_space<vmem>> -> memref<40x1024xf32, #tpu.memory_space<vmem>>
    %dma_start3A_48 = arith.constant 0 : i32
    %dma_start3A_49 = tpu.memref_slice %arg2[%add3A_6, %dma_start3A_48] : memref<8192x1024xf32, #tpu.memory_space<hbm>> -> memref<40x1024xf32, #tpu.memory_space<hbm>>
    tpu.enqueue_dma source(%dma_start3A_49 : memref<40x1024xf32, #tpu.memory_space<hbm>>) target(%dma_start3A_47 : memref<40x1024xf32, #tpu.memory_space<vmem>>) target_semaphore(%arg8 : memref<!tpu.dma_semaphore, #tpu.memory_space<semaphore_mem>>)
    %dma_start3A_50 = arith.constant 0 : i32
    %dma_start3A_51 = arith.constant 0 : i32
    %dma_start3A_52 = tpu.memref_slice %arg6[%dma_start3A_50, %dma_start3A_51] : memref<40x1024xf32, #tpu.memory_space<vmem>> -> memref<40x1024xf32, #tpu.memory_space<vmem>>
    %dma_start3A_53 = arith.constant 0 : i32
    %dma_start3A_54 = tpu.memref_slice %arg2[%add3A_8, %dma_start3A_53] : memref<8192x1024xf32, #tpu.memory_space<hbm>> -> memref<40x1024xf32, #tpu.memory_space<hbm>>
    %dma_start3A_55 = arith.constant 0 : i32
    %dma_start3A_56 = arith.constant 0 : i32
    %dma_start3A_57 = tpu.memref_slice %arg6[%dma_start3A_55, %dma_start3A_56] : memref<40x1024xf32, #tpu.memory_space<vmem>> -> memref<40x1024xf32, #tpu.memory_space<vmem>>
    %dma_start3A_58 = arith.constant 0 : i32
    %dma_start3A_59 = tpu.memref_slice %arg2[%add3A_8, %dma_start3A_58] : memref<8192x1024xf32, #tpu.memory_space<hbm>> -> memref<40x1024xf32, #tpu.memory_space<hbm>>
    tpu.enqueue_dma source(%dma_start3A_59 : memref<40x1024xf32, #tpu.memory_space<hbm>>) target(%dma_start3A_57 : memref<40x1024xf32, #tpu.memory_space<vmem>>) target_semaphore(%arg9 : memref<!tpu.dma_semaphore, #tpu.memory_space<semaphore_mem>>)
    %dma_wait3A = arith.constant 0 : i32
    %dma_wait3A_60 = arith.constant 0 : i32
    %dma_wait3A_61 = tpu.memref_slice %arg4[%dma_wait3A, %dma_wait3A_60] : memref<40x1024xf32, #tpu.memory_space<vmem>> -> memref<40x1024xf32, #tpu.memory_space<vmem>>
    %dma_wait3A_62 = arith.constant 0 : i32
    %dma_wait3A_63 = tpu.memref_slice %arg2[%add3A_4, %dma_wait3A_62] : memref<8192x1024xf32, #tpu.memory_space<hbm>> -> memref<40x1024xf32, #tpu.memory_space<hbm>>
    %dma_wait3A_64 = arith.constant 0 : i32
    %dma_wait3A_65 = arith.constant 0 : i32
    %dma_wait3A_66 = tpu.memref_slice %arg4[%dma_wait3A_64, %dma_wait3A_65] : memref<40x1024xf32, #tpu.memory_space<vmem>> -> memref<40x1024xf32, #tpu.memory_space<vmem>>
    %dma_wait3A_67 = arith.constant 0 : i32
    %dma_wait3A_68 = tpu.memref_slice %arg2[%add3A_4, %dma_wait3A_67] : memref<8192x1024xf32, #tpu.memory_space<hbm>> -> memref<40x1024xf32, #tpu.memory_space<hbm>>
    tpu.wait_dma2 semaphore(%arg7 : memref<!tpu.dma_semaphore, #tpu.memory_space<semaphore_mem>>) src(%dma_wait3A_68 : memref<40x1024xf32, #tpu.memory_space<hbm>>) dst(%dma_wait3A_66 : memref<40x1024xf32, #tpu.memory_space<vmem>>)
    %dma_start3A_69 = arith.constant 0 : i32
    %dma_start3A_70 = arith.constant 0 : i32
    %dma_start3A_71 = tpu.memref_slice %arg4[%dma_start3A_69, %dma_start3A_70] : memref<40x1024xf32, #tpu.memory_space<vmem>> -> memref<40x1024xf32, #tpu.memory_space<vmem>>
    %dma_start3A_72 = arith.constant 0 : i32
    %dma_start3A_73 = tpu.memref_slice %arg3[%add3A_18, %dma_start3A_72] : memref<8192x1024xf32, #tpu.memory_space<hbm>> -> memref<40x1024xf32, #tpu.memory_space<hbm>>
    %dma_start3A_74 = arith.constant 0 : i32
    %dma_start3A_75 = tpu.memref_slice %arg3[%add3A_18, %dma_start3A_74] : memref<8192x1024xf32, #tpu.memory_space<hbm>> -> memref<40x1024xf32, #tpu.memory_space<hbm>>
    %dma_start3A_76 = arith.constant 0 : i32
    %dma_start3A_77 = arith.constant 0 : i32
    %dma_start3A_78 = tpu.memref_slice %arg4[%dma_start3A_76, %dma_start3A_77] : memref<40x1024xf32, #tpu.memory_space<vmem>> -> memref<40x1024xf32, #tpu.memory_space<vmem>>
    tpu.enqueue_dma source(%dma_start3A_78 : memref<40x1024xf32, #tpu.memory_space<vmem>>) target(%dma_start3A_75 : memref<40x1024xf32, #tpu.memory_space<hbm>>) target_semaphore(%arg10 : memref<!tpu.dma_semaphore, #tpu.memory_space<semaphore_mem>>)
    %dma_wait3A_79 = arith.constant 0 : i32
    %dma_wait3A_80 = arith.constant 0 : i32
    %dma_wait3A_81 = tpu.memref_slice %arg4[%dma_wait3A_79, %dma_wait3A_80] : memref<40x1024xf32, #tpu.memory_space<vmem>> -> memref<40x1024xf32, #tpu.memory_space<vmem>>
    %dma_wait3A_82 = arith.constant 0 : i32
    %dma_wait3A_83 = tpu.memref_slice %arg3[%add3A_18, %dma_wait3A_82] : memref<8192x1024xf32, #tpu.memory_space<hbm>> -> memref<40x1024xf32, #tpu.memory_space<hbm>>
    %dma_wait3A_84 = arith.constant 0 : i32
    %dma_wait3A_85 = tpu.memref_slice %arg3[%add3A_18, %dma_wait3A_84] : memref<8192x1024xf32, #tpu.memory_space<hbm>> -> memref<40x1024xf32, #tpu.memory_space<hbm>>
    %dma_wait3A_86 = arith.constant 0 : i32
    %dma_wait3A_87 = arith.constant 0 : i32
    %dma_wait3A_88 = tpu.memref_slice %arg4[%dma_wait3A_86, %dma_wait3A_87] : memref<40x1024xf32, #tpu.memory_space<vmem>> -> memref<40x1024xf32, #tpu.memory_space<vmem>>
    tpu.wait_dma2 semaphore(%arg10 : memref<!tpu.dma_semaphore, #tpu.memory_space<semaphore_mem>>) src(%dma_wait3A_88 : memref<40x1024xf32, #tpu.memory_space<vmem>>) dst(%dma_wait3A_85 : memref<40x1024xf32, #tpu.memory_space<hbm>>)
    %dma_start3A_89 = arith.constant 0 : i32
    %dma_start3A_90 = arith.constant 0 : i32
    %dma_start3A_91 = tpu.memref_slice %arg4[%dma_start3A_89, %dma_start3A_90] : memref<40x1024xf32, #tpu.memory_space<vmem>> -> memref<40x1024xf32, #tpu.memory_space<vmem>>
    %dma_start3A_92 = arith.constant 0 : i32
    %dma_start3A_93 = tpu.memref_slice %arg2[%add3A_10, %dma_start3A_92] : memref<8192x1024xf32, #tpu.memory_space<hbm>> -> memref<40x1024xf32, #tpu.memory_space<hbm>>
    %dma_start3A_94 = arith.constant 0 : i32
    %dma_start3A_95 = arith.constant 0 : i32
    %dma_start3A_96 = tpu.memref_slice %arg4[%dma_start3A_94, %dma_start3A_95] : memref<40x1024xf32, #tpu.memory_space<vmem>> -> memref<40x1024xf32, #tpu.memory_space<vmem>>
    %dma_start3A_97 = arith.constant 0 : i32
    %dma_start3A_98 = tpu.memref_slice %arg2[%add3A_10, %dma_start3A_97] : memref<8192x1024xf32, #tpu.memory_space<hbm>> -> memref<40x1024xf32, #tpu.memory_space<hbm>>
    tpu.enqueue_dma source(%dma_start3A_98 : memref<40x1024xf32, #tpu.memory_space<hbm>>) target(%dma_start3A_96 : memref<40x1024xf32, #tpu.memory_space<vmem>>) target_semaphore(%arg7 : memref<!tpu.dma_semaphore, #tpu.memory_space<semaphore_mem>>)
    %dma_wait3A_99 = arith.constant 0 : i32
    %dma_wait3A_100 = arith.constant 0 : i32
    %dma_wait3A_101 = tpu.memref_slice %arg5[%dma_wait3A_99, %dma_wait3A_100] : memref<40x1024xf32, #tpu.memory_space<vmem>> -> memref<40x1024xf32, #tpu.memory_space<vmem>>
    %dma_wait3A_102 = arith.constant 0 : i32
    %dma_wait3A_103 = tpu.memref_slice %arg2[%add3A_6, %dma_wait3A_102] : memref<8192x1024xf32, #tpu.memory_space<hbm>> -> memref<40x1024xf32, #tpu.memory_space<hbm>>
    %dma_wait3A_104 = arith.constant 0 : i32
    %dma_wait3A_105 = arith.constant 0 : i32
    %dma_wait3A_106 = tpu.memref_slice %arg5[%dma_wait3A_104, %dma_wait3A_105] : memref<40x1024xf32, #tpu.memory_space<vmem>> -> memref<40x1024xf32, #tpu.memory_space<vmem>>
    %dma_wait3A_107 = arith.constant 0 : i32
    %dma_wait3A_108 = tpu.memref_slice %arg2[%add3A_6, %dma_wait3A_107] : memref<8192x1024xf32, #tpu.memory_space<hbm>> -> memref<40x1024xf32, #tpu.memory_space<hbm>>
    tpu.wait_dma2 semaphore(%arg8 : memref<!tpu.dma_semaphore, #tpu.memory_space<semaphore_mem>>) src(%dma_wait3A_108 : memref<40x1024xf32, #tpu.memory_space<hbm>>) dst(%dma_wait3A_106 : memref<40x1024xf32, #tpu.memory_space<vmem>>)
    %dma_start3A_109 = arith.constant 0 : i32
    %dma_start3A_110 = arith.constant 0 : i32
    %dma_start3A_111 = tpu.memref_slice %arg5[%dma_start3A_109, %dma_start3A_110] : memref<40x1024xf32, #tpu.memory_space<vmem>> -> memref<40x1024xf32, #tpu.memory_space<vmem>>
    %dma_start3A_112 = arith.constant 0 : i32
    %dma_start3A_113 = tpu.memref_slice %arg3[%add3A_20, %dma_start3A_112] : memref<8192x1024xf32, #tpu.memory_space<hbm>> -> memref<40x1024xf32, #tpu.memory_space<hbm>>
    %dma_start3A_114 = arith.constant 0 : i32
    %dma_start3A_115 = tpu.memref_slice %arg3[%add3A_20, %dma_start3A_114] : memref<8192x1024xf32, #tpu.memory_space<hbm>> -> memref<40x1024xf32, #tpu.memory_space<hbm>>
    %dma_start3A_116 = arith.constant 0 : i32
    %dma_start3A_117 = arith.constant 0 : i32
    %dma_start3A_118 = tpu.memref_slice %arg5[%dma_start3A_116, %dma_start3A_117] : memref<40x1024xf32, #tpu.memory_space<vmem>> -> memref<40x1024xf32, #tpu.memory_space<vmem>>
    tpu.enqueue_dma source(%dma_start3A_118 : memref<40x1024xf32, #tpu.memory_space<vmem>>) target(%dma_start3A_115 : memref<40x1024xf32, #tpu.memory_space<hbm>>) target_semaphore(%arg11 : memref<!tpu.dma_semaphore, #tpu.memory_space<semaphore_mem>>)
    %dma_wait3A_119 = arith.constant 0 : i32
    %dma_wait3A_120 = arith.constant 0 : i32
    %dma_wait3A_121 = tpu.memref_slice %arg5[%dma_wait3A_119, %dma_wait3A_120] : memref<40x1024xf32, #tpu.memory_space<vmem>> -> memref<40x1024xf32, #tpu.memory_space<vmem>>
    %dma_wait3A_122 = arith.constant 0 : i32
    %dma_wait3A_123 = tpu.memref_slice %arg3[%add3A_20, %dma_wait3A_122] : memref<8192x1024xf32, #tpu.memory_space<hbm>> -> memref<40x1024xf32, #tpu.memory_space<hbm>>
    %dma_wait3A_124 = arith.constant 0 : i32
    %dma_wait3A_125 = tpu.memref_slice %arg3[%add3A_20, %dma_wait3A_124] : memref<8192x1024xf32, #tpu.memory_space<hbm>> -> memref<40x1024xf32, #tpu.memory_space<hbm>>
    %dma_wait3A_126 = arith.constant 0 : i32
    %dma_wait3A_127 = arith.constant 0 : i32
    %dma_wait3A_128 = tpu.memref_slice %arg5[%dma_wait3A_126, %dma_wait3A_127] : memref<40x1024xf32, #tpu.memory_space<vmem>> -> memref<40x1024xf32, #tpu.memory_space<vmem>>
    tpu.wait_dma2 semaphore(%arg11 : memref<!tpu.dma_semaphore, #tpu.memory_space<semaphore_mem>>) src(%dma_wait3A_128 : memref<40x1024xf32, #tpu.memory_space<vmem>>) dst(%dma_wait3A_125 : memref<40x1024xf32, #tpu.memory_space<hbm>>)
    %dma_start3A_129 = arith.constant 0 : i32
    %dma_start3A_130 = arith.constant 0 : i32
    %dma_start3A_131 = tpu.memref_slice %arg5[%dma_start3A_129, %dma_start3A_130] : memref<40x1024xf32, #tpu.memory_space<vmem>> -> memref<40x1024xf32, #tpu.memory_space<vmem>>
    %dma_start3A_132 = arith.constant 0 : i32
    %dma_start3A_133 = tpu.memref_slice %arg2[%add3A_12, %dma_start3A_132] : memref<8192x1024xf32, #tpu.memory_space<hbm>> -> memref<40x1024xf32, #tpu.memory_space<hbm>>
    %dma_start3A_134 = arith.constant 0 : i32
    %dma_start3A_135 = arith.constant 0 : i32
    %dma_start3A_136 = tpu.memref_slice %arg5[%dma_start3A_134, %dma_start3A_135] : memref<40x1024xf32, #tpu.memory_space<vmem>> -> memref<40x1024xf32, #tpu.memory_space<vmem>>
    %dma_start3A_137 = arith.constant 0 : i32
    %dma_start3A_138 = tpu.memref_slice %arg2[%add3A_12, %dma_start3A_137] : memref<8192x1024xf32, #tpu.memory_space<hbm>> -> memref<40x1024xf32, #tpu.memory_space<hbm>>
    tpu.enqueue_dma source(%dma_start3A_138 : memref<40x1024xf32, #tpu.memory_space<hbm>>) target(%dma_start3A_136 : memref<40x1024xf32, #tpu.memory_space<vmem>>) target_semaphore(%arg8 : memref<!tpu.dma_semaphore, #tpu.memory_space<semaphore_mem>>)
    %dma_wait3A_139 = arith.constant 0 : i32
    %dma_wait3A_140 = arith.constant 0 : i32
    %dma_wait3A_141 = tpu.memref_slice %arg6[%dma_wait3A_139, %dma_wait3A_140] : memref<40x1024xf32, #tpu.memory_space<vmem>> -> memref<40x1024xf32, #tpu.memory_space<vmem>>
    %dma_wait3A_142 = arith.constant 0 : i32
    %dma_wait3A_143 = tpu.memref_slice %arg2[%add3A_8, %dma_wait3A_142] : memref<8192x1024xf32, #tpu.memory_space<hbm>> -> memref<40x1024xf32, #tpu.memory_space<hbm>>
    %dma_wait3A_144 = arith.constant 0 : i32
    %dma_wait3A_145 = arith.constant 0 : i32
    %dma_wait3A_146 = tpu.memref_slice %arg6[%dma_wait3A_144, %dma_wait3A_145] : memref<40x1024xf32, #tpu.memory_space<vmem>> -> memref<40x1024xf32, #tpu.memory_space<vmem>>
    %dma_wait3A_147 = arith.constant 0 : i32
    %dma_wait3A_148 = tpu.memref_slice %arg2[%add3A_8, %dma_wait3A_147] : memref<8192x1024xf32, #tpu.memory_space<hbm>> -> memref<40x1024xf32, #tpu.memory_space<hbm>>
    tpu.wait_dma2 semaphore(%arg9 : memref<!tpu.dma_semaphore, #tpu.memory_space<semaphore_mem>>) src(%dma_wait3A_148 : memref<40x1024xf32, #tpu.memory_space<hbm>>) dst(%dma_wait3A_146 : memref<40x1024xf32, #tpu.memory_space<vmem>>)
    %dma_start3A_149 = arith.constant 0 : i32
    %dma_start3A_150 = arith.constant 0 : i32
    %dma_start3A_151 = tpu.memref_slice %arg6[%dma_start3A_149, %dma_start3A_150] : memref<40x1024xf32, #tpu.memory_space<vmem>> -> memref<40x1024xf32, #tpu.memory_space<vmem>>
    %dma_start3A_152 = arith.constant 0 : i32
    %dma_start3A_153 = tpu.memref_slice %arg3[%add3A_22, %dma_start3A_152] : memref<8192x1024xf32, #tpu.memory_space<hbm>> -> memref<40x1024xf32, #tpu.memory_space<hbm>>
    %dma_start3A_154 = arith.constant 0 : i32
    %dma_start3A_155 = tpu.memref_slice %arg3[%add3A_22, %dma_start3A_154] : memref<8192x1024xf32, #tpu.memory_space<hbm>> -> memref<40x1024xf32, #tpu.memory_space<hbm>>
    %dma_start3A_156 = arith.constant 0 : i32
    %dma_start3A_157 = arith.constant 0 : i32
    %dma_start3A_158 = tpu.memref_slice %arg6[%dma_start3A_156, %dma_start3A_157] : memref<40x1024xf32, #tpu.memory_space<vmem>> -> memref<40x1024xf32, #tpu.memory_space<vmem>>
    tpu.enqueue_dma source(%dma_start3A_158 : memref<40x1024xf32, #tpu.memory_space<vmem>>) target(%dma_start3A_155 : memref<40x1024xf32, #tpu.memory_space<hbm>>) target_semaphore(%arg12 : memref<!tpu.dma_semaphore, #tpu.memory_space<semaphore_mem>>)
    %dma_wait3A_159 = arith.constant 0 : i32
    %dma_wait3A_160 = arith.constant 0 : i32
    %dma_wait3A_161 = tpu.memref_slice %arg6[%dma_wait3A_159, %dma_wait3A_160] : memref<40x1024xf32, #tpu.memory_space<vmem>> -> memref<40x1024xf32, #tpu.memory_space<vmem>>
    %dma_wait3A_162 = arith.constant 0 : i32
    %dma_wait3A_163 = tpu.memref_slice %arg3[%add3A_22, %dma_wait3A_162] : memref<8192x1024xf32, #tpu.memory_space<hbm>> -> memref<40x1024xf32, #tpu.memory_space<hbm>>
    %dma_wait3A_164 = arith.constant 0 : i32
    %dma_wait3A_165 = tpu.memref_slice %arg3[%add3A_22, %dma_wait3A_164] : memref<8192x1024xf32, #tpu.memory_space<hbm>> -> memref<40x1024xf32, #tpu.memory_space<hbm>>
    %dma_wait3A_166 = arith.constant 0 : i32
    %dma_wait3A_167 = arith.constant 0 : i32
    %dma_wait3A_168 = tpu.memref_slice %arg6[%dma_wait3A_166, %dma_wait3A_167] : memref<40x1024xf32, #tpu.memory_space<vmem>> -> memref<40x1024xf32, #tpu.memory_space<vmem>>
    tpu.wait_dma2 semaphore(%arg12 : memref<!tpu.dma_semaphore, #tpu.memory_space<semaphore_mem>>) src(%dma_wait3A_168 : memref<40x1024xf32, #tpu.memory_space<vmem>>) dst(%dma_wait3A_165 : memref<40x1024xf32, #tpu.memory_space<hbm>>)
    %dma_start3A_169 = arith.constant 0 : i32
    %dma_start3A_170 = arith.constant 0 : i32
    %dma_start3A_171 = tpu.memref_slice %arg6[%dma_start3A_169, %dma_start3A_170] : memref<40x1024xf32, #tpu.memory_space<vmem>> -> memref<40x1024xf32, #tpu.memory_space<vmem>>
    %dma_start3A_172 = arith.constant 0 : i32
    %dma_start3A_173 = tpu.memref_slice %arg2[%add3A_14, %dma_start3A_172] : memref<8192x1024xf32, #tpu.memory_space<hbm>> -> memref<40x1024xf32, #tpu.memory_space<hbm>>
    %dma_start3A_174 = arith.constant 0 : i32
    %dma_start3A_175 = arith.constant 0 : i32
    %dma_start3A_176 = tpu.memref_slice %arg6[%dma_start3A_174, %dma_start3A_175] : memref<40x1024xf32, #tpu.memory_space<vmem>> -> memref<40x1024xf32, #tpu.memory_space<vmem>>
    %dma_start3A_177 = arith.constant 0 : i32
    %dma_start3A_178 = tpu.memref_slice %arg2[%add3A_14, %dma_start3A_177] : memref<8192x1024xf32, #tpu.memory_space<hbm>> -> memref<40x1024xf32, #tpu.memory_space<hbm>>
    tpu.enqueue_dma source(%dma_start3A_178 : memref<40x1024xf32, #tpu.memory_space<hbm>>) target(%dma_start3A_176 : memref<40x1024xf32, #tpu.memory_space<vmem>>) target_semaphore(%arg9 : memref<!tpu.dma_semaphore, #tpu.memory_space<semaphore_mem>>)
    %dma_wait3A_179 = arith.constant 0 : i32
    %dma_wait3A_180 = arith.constant 0 : i32
    %dma_wait3A_181 = tpu.memref_slice %arg4[%dma_wait3A_179, %dma_wait3A_180] : memref<40x1024xf32, #tpu.memory_space<vmem>> -> memref<40x1024xf32, #tpu.memory_space<vmem>>
    %dma_wait3A_182 = arith.constant 0 : i32
    %dma_wait3A_183 = tpu.memref_slice %arg2[%add3A_10, %dma_wait3A_182] : memref<8192x1024xf32, #tpu.memory_space<hbm>> -> memref<40x1024xf32, #tpu.memory_space<hbm>>
    %dma_wait3A_184 = arith.constant 0 : i32
    %dma_wait3A_185 = arith.constant 0 : i32
    %dma_wait3A_186 = tpu.memref_slice %arg4[%dma_wait3A_184, %dma_wait3A_185] : memref<40x1024xf32, #tpu.memory_space<vmem>> -> memref<40x1024xf32, #tpu.memory_space<vmem>>
    %dma_wait3A_187 = arith.constant 0 : i32
    %dma_wait3A_188 = tpu.memref_slice %arg2[%add3A_10, %dma_wait3A_187] : memref<8192x1024xf32, #tpu.memory_space<hbm>> -> memref<40x1024xf32, #tpu.memory_space<hbm>>
    tpu.wait_dma2 semaphore(%arg7 : memref<!tpu.dma_semaphore, #tpu.memory_space<semaphore_mem>>) src(%dma_wait3A_188 : memref<40x1024xf32, #tpu.memory_space<hbm>>) dst(%dma_wait3A_186 : memref<40x1024xf32, #tpu.memory_space<vmem>>)
    %dma_start3A_189 = arith.constant 0 : i32
    %dma_start3A_190 = arith.constant 0 : i32
    %dma_start3A_191 = tpu.memref_slice %arg4[%dma_start3A_189, %dma_start3A_190] : memref<40x1024xf32, #tpu.memory_space<vmem>> -> memref<40x1024xf32, #tpu.memory_space<vmem>>
    %dma_start3A_192 = arith.constant 0 : i32
    %dma_start3A_193 = tpu.memref_slice %arg3[%add3A_24, %dma_start3A_192] : memref<8192x1024xf32, #tpu.memory_space<hbm>> -> memref<40x1024xf32, #tpu.memory_space<hbm>>
    %dma_start3A_194 = arith.constant 0 : i32
    %dma_start3A_195 = tpu.memref_slice %arg3[%add3A_24, %dma_start3A_194] : memref<8192x1024xf32, #tpu.memory_space<hbm>> -> memref<40x1024xf32, #tpu.memory_space<hbm>>
    %dma_start3A_196 = arith.constant 0 : i32
    %dma_start3A_197 = arith.constant 0 : i32
    %dma_start3A_198 = tpu.memref_slice %arg4[%dma_start3A_196, %dma_start3A_197] : memref<40x1024xf32, #tpu.memory_space<vmem>> -> memref<40x1024xf32, #tpu.memory_space<vmem>>
    tpu.enqueue_dma source(%dma_start3A_198 : memref<40x1024xf32, #tpu.memory_space<vmem>>) target(%dma_start3A_195 : memref<40x1024xf32, #tpu.memory_space<hbm>>) target_semaphore(%arg10 : memref<!tpu.dma_semaphore, #tpu.memory_space<semaphore_mem>>)
    %dma_wait3A_199 = arith.constant 0 : i32
    %dma_wait3A_200 = arith.constant 0 : i32
    %dma_wait3A_201 = tpu.memref_slice %arg4[%dma_wait3A_199, %dma_wait3A_200] : memref<40x1024xf32, #tpu.memory_space<vmem>> -> memref<40x1024xf32, #tpu.memory_space<vmem>>
    %dma_wait3A_202 = arith.constant 0 : i32
    %dma_wait3A_203 = tpu.memref_slice %arg3[%add3A_24, %dma_wait3A_202] : memref<8192x1024xf32, #tpu.memory_space<hbm>> -> memref<40x1024xf32, #tpu.memory_space<hbm>>
    %dma_wait3A_204 = arith.constant 0 : i32
    %dma_wait3A_205 = tpu.memref_slice %arg3[%add3A_24, %dma_wait3A_204] : memref<8192x1024xf32, #tpu.memory_space<hbm>> -> memref<40x1024xf32, #tpu.memory_space<hbm>>
    %dma_wait3A_206 = arith.constant 0 : i32
    %dma_wait3A_207 = arith.constant 0 : i32
    %dma_wait3A_208 = tpu.memref_slice %arg4[%dma_wait3A_206, %dma_wait3A_207] : memref<40x1024xf32, #tpu.memory_space<vmem>> -> memref<40x1024xf32, #tpu.memory_space<vmem>>
    tpu.wait_dma2 semaphore(%arg10 : memref<!tpu.dma_semaphore, #tpu.memory_space<semaphore_mem>>) src(%dma_wait3A_208 : memref<40x1024xf32, #tpu.memory_space<vmem>>) dst(%dma_wait3A_205 : memref<40x1024xf32, #tpu.memory_space<hbm>>)
    %dma_start3A_209 = arith.constant 0 : i32
    %dma_start3A_210 = arith.constant 0 : i32
    %dma_start3A_211 = tpu.memref_slice %arg4[%dma_start3A_209, %dma_start3A_210] : memref<40x1024xf32, #tpu.memory_space<vmem>> -> memref<16x1024xf32, #tpu.memory_space<vmem>>
    %dma_start3A_212 = arith.constant 0 : i32
    %dma_start3A_213 = tpu.memref_slice %arg2[%add3A_16, %dma_start3A_212] : memref<8192x1024xf32, #tpu.memory_space<hbm>> -> memref<16x1024xf32, #tpu.memory_space<hbm>>
    %dma_start3A_214 = arith.constant 0 : i32
    %dma_start3A_215 = arith.constant 0 : i32
    %dma_start3A_216 = tpu.memref_slice %arg4[%dma_start3A_214, %dma_start3A_215] : memref<40x1024xf32, #tpu.memory_space<vmem>> -> memref<16x1024xf32, #tpu.memory_space<vmem>>
    %dma_start3A_217 = arith.constant 0 : i32
    %dma_start3A_218 = tpu.memref_slice %arg2[%add3A_16, %dma_start3A_217] : memref<8192x1024xf32, #tpu.memory_space<hbm>> -> memref<16x1024xf32, #tpu.memory_space<hbm>>
    tpu.enqueue_dma source(%dma_start3A_218 : memref<16x1024xf32, #tpu.memory_space<hbm>>) target(%dma_start3A_216 : memref<16x1024xf32, #tpu.memory_space<vmem>>) target_semaphore(%arg7 : memref<!tpu.dma_semaphore, #tpu.memory_space<semaphore_mem>>)
    %dma_wait3A_219 = arith.constant 0 : i32
    %dma_wait3A_220 = arith.constant 0 : i32
    %dma_wait3A_221 = tpu.memref_slice %arg5[%dma_wait3A_219, %dma_wait3A_220] : memref<40x1024xf32, #tpu.memory_space<vmem>> -> memref<40x1024xf32, #tpu.memory_space<vmem>>
    %dma_wait3A_222 = arith.constant 0 : i32
    %dma_wait3A_223 = tpu.memref_slice %arg2[%add3A_12, %dma_wait3A_222] : memref<8192x1024xf32, #tpu.memory_space<hbm>> -> memref<40x1024xf32, #tpu.memory_space<hbm>>
    %dma_wait3A_224 = arith.constant 0 : i32
    %dma_wait3A_225 = arith.constant 0 : i32
    %dma_wait3A_226 = tpu.memref_slice %arg5[%dma_wait3A_224, %dma_wait3A_225] : memref<40x1024xf32, #tpu.memory_space<vmem>> -> memref<40x1024xf32, #tpu.memory_space<vmem>>
    %dma_wait3A_227 = arith.constant 0 : i32
    %dma_wait3A_228 = tpu.memref_slice %arg2[%add3A_12, %dma_wait3A_227] : memref<8192x1024xf32, #tpu.memory_space<hbm>> -> memref<40x1024xf32, #tpu.memory_space<hbm>>
    tpu.wait_dma2 semaphore(%arg8 : memref<!tpu.dma_semaphore, #tpu.memory_space<semaphore_mem>>) src(%dma_wait3A_228 : memref<40x1024xf32, #tpu.memory_space<hbm>>) dst(%dma_wait3A_226 : memref<40x1024xf32, #tpu.memory_space<vmem>>)
    %dma_start3A_229 = arith.constant 0 : i32
    %dma_start3A_230 = arith.constant 0 : i32
    %dma_start3A_231 = tpu.memref_slice %arg5[%dma_start3A_229, %dma_start3A_230] : memref<40x1024xf32, #tpu.memory_space<vmem>> -> memref<40x1024xf32, #tpu.memory_space<vmem>>
    %dma_start3A_232 = arith.constant 0 : i32
    %dma_start3A_233 = tpu.memref_slice %arg3[%add3A_26, %dma_start3A_232] : memref<8192x1024xf32, #tpu.memory_space<hbm>> -> memref<40x1024xf32, #tpu.memory_space<hbm>>
    %dma_start3A_234 = arith.constant 0 : i32
    %dma_start3A_235 = tpu.memref_slice %arg3[%add3A_26, %dma_start3A_234] : memref<8192x1024xf32, #tpu.memory_space<hbm>> -> memref<40x1024xf32, #tpu.memory_space<hbm>>
    %dma_start3A_236 = arith.constant 0 : i32
    %dma_start3A_237 = arith.constant 0 : i32
    %dma_start3A_238 = tpu.memref_slice %arg5[%dma_start3A_236, %dma_start3A_237] : memref<40x1024xf32, #tpu.memory_space<vmem>> -> memref<40x1024xf32, #tpu.memory_space<vmem>>
    tpu.enqueue_dma source(%dma_start3A_238 : memref<40x1024xf32, #tpu.memory_space<vmem>>) target(%dma_start3A_235 : memref<40x1024xf32, #tpu.memory_space<hbm>>) target_semaphore(%arg11 : memref<!tpu.dma_semaphore, #tpu.memory_space<semaphore_mem>>)
    %dma_wait3A_239 = arith.constant 0 : i32
    %dma_wait3A_240 = arith.constant 0 : i32
    %dma_wait3A_241 = tpu.memref_slice %arg6[%dma_wait3A_239, %dma_wait3A_240] : memref<40x1024xf32, #tpu.memory_space<vmem>> -> memref<40x1024xf32, #tpu.memory_space<vmem>>
    %dma_wait3A_242 = arith.constant 0 : i32
    %dma_wait3A_243 = tpu.memref_slice %arg2[%add3A_14, %dma_wait3A_242] : memref<8192x1024xf32, #tpu.memory_space<hbm>> -> memref<40x1024xf32, #tpu.memory_space<hbm>>
    %dma_wait3A_244 = arith.constant 0 : i32
    %dma_wait3A_245 = arith.constant 0 : i32
    %dma_wait3A_246 = tpu.memref_slice %arg6[%dma_wait3A_244, %dma_wait3A_245] : memref<40x1024xf32, #tpu.memory_space<vmem>> -> memref<40x1024xf32, #tpu.memory_space<vmem>>
    %dma_wait3A_247 = arith.constant 0 : i32
    %dma_wait3A_248 = tpu.memref_slice %arg2[%add3A_14, %dma_wait3A_247] : memref<8192x1024xf32, #tpu.memory_space<hbm>> -> memref<40x1024xf32, #tpu.memory_space<hbm>>
    tpu.wait_dma2 semaphore(%arg9 : memref<!tpu.dma_semaphore, #tpu.memory_space<semaphore_mem>>) src(%dma_wait3A_248 : memref<40x1024xf32, #tpu.memory_space<hbm>>) dst(%dma_wait3A_246 : memref<40x1024xf32, #tpu.memory_space<vmem>>)
    %dma_start3A_249 = arith.constant 0 : i32
    %dma_start3A_250 = arith.constant 0 : i32
    %dma_start3A_251 = tpu.memref_slice %arg6[%dma_start3A_249, %dma_start3A_250] : memref<40x1024xf32, #tpu.memory_space<vmem>> -> memref<40x1024xf32, #tpu.memory_space<vmem>>
    %dma_start3A_252 = arith.constant 0 : i32
    %dma_start3A_253 = tpu.memref_slice %arg3[%add3A_28, %dma_start3A_252] : memref<8192x1024xf32, #tpu.memory_space<hbm>> -> memref<40x1024xf32, #tpu.memory_space<hbm>>
    %dma_start3A_254 = arith.constant 0 : i32
    %dma_start3A_255 = tpu.memref_slice %arg3[%add3A_28, %dma_start3A_254] : memref<8192x1024xf32, #tpu.memory_space<hbm>> -> memref<40x1024xf32, #tpu.memory_space<hbm>>
    %dma_start3A_256 = arith.constant 0 : i32
    %dma_start3A_257 = arith.constant 0 : i32
    %dma_start3A_258 = tpu.memref_slice %arg6[%dma_start3A_256, %dma_start3A_257] : memref<40x1024xf32, #tpu.memory_space<vmem>> -> memref<40x1024xf32, #tpu.memory_space<vmem>>
    tpu.enqueue_dma source(%dma_start3A_258 : memref<40x1024xf32, #tpu.memory_space<vmem>>) target(%dma_start3A_255 : memref<40x1024xf32, #tpu.memory_space<hbm>>) target_semaphore(%arg12 : memref<!tpu.dma_semaphore, #tpu.memory_space<semaphore_mem>>)
    %dma_wait3A_259 = arith.constant 0 : i32
    %dma_wait3A_260 = arith.constant 0 : i32
    %dma_wait3A_261 = tpu.memref_slice %arg4[%dma_wait3A_259, %dma_wait3A_260] : memref<40x1024xf32, #tpu.memory_space<vmem>> -> memref<16x1024xf32, #tpu.memory_space<vmem>>
    %dma_wait3A_262 = arith.constant 0 : i32
    %dma_wait3A_263 = tpu.memref_slice %arg2[%add3A_16, %dma_wait3A_262] : memref<8192x1024xf32, #tpu.memory_space<hbm>> -> memref<16x1024xf32, #tpu.memory_space<hbm>>
    %dma_wait3A_264 = arith.constant 0 : i32
    %dma_wait3A_265 = arith.constant 0 : i32
    %dma_wait3A_266 = tpu.memref_slice %arg4[%dma_wait3A_264, %dma_wait3A_265] : memref<40x1024xf32, #tpu.memory_space<vmem>> -> memref<16x1024xf32, #tpu.memory_space<vmem>>
    %dma_wait3A_267 = arith.constant 0 : i32
    %dma_wait3A_268 = tpu.memref_slice %arg2[%add3A_16, %dma_wait3A_267] : memref<8192x1024xf32, #tpu.memory_space<hbm>> -> memref<16x1024xf32, #tpu.memory_space<hbm>>
    tpu.wait_dma2 semaphore(%arg7 : memref<!tpu.dma_semaphore, #tpu.memory_space<semaphore_mem>>) src(%dma_wait3A_268 : memref<16x1024xf32, #tpu.memory_space<hbm>>) dst(%dma_wait3A_266 : memref<16x1024xf32, #tpu.memory_space<vmem>>)
    %dma_start3A_269 = arith.constant 0 : i32
    %dma_start3A_270 = arith.constant 0 : i32
    %dma_start3A_271 = tpu.memref_slice %arg4[%dma_start3A_269, %dma_start3A_270] : memref<40x1024xf32, #tpu.memory_space<vmem>> -> memref<16x1024xf32, #tpu.memory_space<vmem>>
    %dma_start3A_272 = arith.constant 0 : i32
    %dma_start3A_273 = tpu.memref_slice %arg3[%add3A_30, %dma_start3A_272] : memref<8192x1024xf32, #tpu.memory_space<hbm>> -> memref<16x1024xf32, #tpu.memory_space<hbm>>
    %dma_start3A_274 = arith.constant 0 : i32
    %dma_start3A_275 = tpu.memref_slice %arg3[%add3A_30, %dma_start3A_274] : memref<8192x1024xf32, #tpu.memory_space<hbm>> -> memref<16x1024xf32, #tpu.memory_space<hbm>>
    %dma_start3A_276 = arith.constant 0 : i32
    %dma_start3A_277 = arith.constant 0 : i32
    %dma_start3A_278 = tpu.memref_slice %arg4[%dma_start3A_276, %dma_start3A_277] : memref<40x1024xf32, #tpu.memory_space<vmem>> -> memref<16x1024xf32, #tpu.memory_space<vmem>>
    tpu.enqueue_dma source(%dma_start3A_278 : memref<16x1024xf32, #tpu.memory_space<vmem>>) target(%dma_start3A_275 : memref<16x1024xf32, #tpu.memory_space<hbm>>) target_semaphore(%arg10 : memref<!tpu.dma_semaphore, #tpu.memory_space<semaphore_mem>>)
    %dma_wait3A_279 = arith.constant 0 : i32
    %dma_wait3A_280 = arith.constant 0 : i32
    %dma_wait3A_281 = tpu.memref_slice %arg5[%dma_wait3A_279, %dma_wait3A_280] : memref<40x1024xf32, #tpu.memory_space<vmem>> -> memref<40x1024xf32, #tpu.memory_space<vmem>>
    %dma_wait3A_282 = arith.constant 0 : i32
    %dma_wait3A_283 = tpu.memref_slice %arg3[%add3A_26, %dma_wait3A_282] : memref<8192x1024xf32, #tpu.memory_space<hbm>> -> memref<40x1024xf32, #tpu.memory_space<hbm>>
    %dma_wait3A_284 = arith.constant 0 : i32
    %dma_wait3A_285 = tpu.memref_slice %arg3[%add3A_26, %dma_wait3A_284] : memref<8192x1024xf32, #tpu.memory_space<hbm>> -> memref<40x1024xf32, #tpu.memory_space<hbm>>
    %dma_wait3A_286 = arith.constant 0 : i32
    %dma_wait3A_287 = arith.constant 0 : i32
    %dma_wait3A_288 = tpu.memref_slice %arg5[%dma_wait3A_286, %dma_wait3A_287] : memref<40x1024xf32, #tpu.memory_space<vmem>> -> memref<40x1024xf32, #tpu.memory_space<vmem>>
    tpu.wait_dma2 semaphore(%arg11 : memref<!tpu.dma_semaphore, #tpu.memory_space<semaphore_mem>>) src(%dma_wait3A_288 : memref<40x1024xf32, #tpu.memory_space<vmem>>) dst(%dma_wait3A_285 : memref<40x1024xf32, #tpu.memory_space<hbm>>)
    %dma_wait3A_289 = arith.constant 0 : i32
    %dma_wait3A_290 = arith.constant 0 : i32
    %dma_wait3A_291 = tpu.memref_slice %arg6[%dma_wait3A_289, %dma_wait3A_290] : memref<40x1024xf32, #tpu.memory_space<vmem>> -> memref<40x1024xf32, #tpu.memory_space<vmem>>
    %dma_wait3A_292 = arith.constant 0 : i32
    %dma_wait3A_293 = tpu.memref_slice %arg3[%add3A_28, %dma_wait3A_292] : memref<8192x1024xf32, #tpu.memory_space<hbm>> -> memref<40x1024xf32, #tpu.memory_space<hbm>>
    %dma_wait3A_294 = arith.constant 0 : i32
    %dma_wait3A_295 = tpu.memref_slice %arg3[%add3A_28, %dma_wait3A_294] : memref<8192x1024xf32, #tpu.memory_space<hbm>> -> memref<40x1024xf32, #tpu.memory_space<hbm>>
    %dma_wait3A_296 = arith.constant 0 : i32
    %dma_wait3A_297 = arith.constant 0 : i32
    %dma_wait3A_298 = tpu.memref_slice %arg6[%dma_wait3A_296, %dma_wait3A_297] : memref<40x1024xf32, #tpu.memory_space<vmem>> -> memref<40x1024xf32, #tpu.memory_space<vmem>>
    tpu.wait_dma2 semaphore(%arg12 : memref<!tpu.dma_semaphore, #tpu.memory_space<semaphore_mem>>) src(%dma_wait3A_298 : memref<40x1024xf32, #tpu.memory_space<vmem>>) dst(%dma_wait3A_295 : memref<40x1024xf32, #tpu.memory_space<hbm>>)
    %dma_wait3A_299 = arith.constant 0 : i32
    %dma_wait3A_300 = arith.constant 0 : i32
    %dma_wait3A_301 = tpu.memref_slice %arg4[%dma_wait3A_299, %dma_wait3A_300] : memref<40x1024xf32, #tpu.memory_space<vmem>> -> memref<16x1024xf32, #tpu.memory_space<vmem>>
    %dma_wait3A_302 = arith.constant 0 : i32
    %dma_wait3A_303 = tpu.memref_slice %arg3[%add3A_30, %dma_wait3A_302] : memref<8192x1024xf32, #tpu.memory_space<hbm>> -> memref<16x1024xf32, #tpu.memory_space<hbm>>
    %dma_wait3A_304 = arith.constant 0 : i32
    %dma_wait3A_305 = tpu.memref_slice %arg3[%add3A_30, %dma_wait3A_304] : memref<8192x1024xf32, #tpu.memory_space<hbm>> -> memref<16x1024xf32, #tpu.memory_space<hbm>>
    %dma_wait3A_306 = arith.constant 0 : i32
    %dma_wait3A_307 = arith.constant 0 : i32
    %dma_wait3A_308 = tpu.memref_slice %arg4[%dma_wait3A_306, %dma_wait3A_307] : memref<40x1024xf32, #tpu.memory_space<vmem>> -> memref<16x1024xf32, #tpu.memory_space<vmem>>
    tpu.wait_dma2 semaphore(%arg10 : memref<!tpu.dma_semaphore, #tpu.memory_space<semaphore_mem>>) src(%dma_wait3A_308 : memref<16x1024xf32, #tpu.memory_space<vmem>>) dst(%dma_wait3A_305 : memref<16x1024xf32, #tpu.memory_space<hbm>>)
    return
  }
}

</mosaic_0001>

<sc_bundles>
// kernel: kernel.3.cloned.1.call-start
scs
__scs_entry_jumppad:
0x0: {  	(pc) =	sbr.rel $0x88, $3  }
0x1: {  	(tag) =	ssettag $0x0;
	lr =	simm.s32 $0x1  }
0x2: {  	[smem:$0x3FA0] =	sst lr;
	_ =	strace $0xD0000000  }
0x3: {  	_ = 	snop  }
0x4: {  	_ = 	snop  }
0x5: {  	_ = 	snop  }
0x6: {  	_ = 	snop  }
0x7: {  	_ = 	snop  }
__scs_overlays_trampoline_lowered:
0x8: {  	[smem:$0x3FAF] =	sst s0  }
0x9: {  	[smem:$0x3FB0] =	sst s1  }
0xa: {  	[smem:$0x3FB1] =	sst s2  }
0xb: {  	[smem:$0x3FB2] =	sst s3  }
0xc: {  	[smem:$0x3FB3] =	sst s4  }
0xd: {  	[smem:$0x3FB4] =	sst s5  }
0xe: {  	[smem:$0x3FB5] =	sst s6  }
0xf: {  	[smem:$0x3FB6] =	sst s7  }
0x10: {  	[smem:$0x3FB7] =	sst s8  }
0x11: {  	[smem:$0x3FB8] =	sst s9;
	s0 =	simm.s32 @!p0 $0x0  }
0x12: {  	s1 =	sld [smem:$0x3F9E];
	s0 =	simm.s32 @p0 $0x1  }
0x13: {  	[smem:$0x3FB9] =	sst s0;
	s0 =	simm.s32 @!p1 $0x0  }
0x14: {  	s2 =	sld [smem:$0x3F9D];
	s0 =	simm.s32 @p1 $0x1  }
0x15: {  	[smem:$0x3FBA] =	sst s0;
	s0 =	simm.s32 @!p2 $0x0  }
0x16: {  	s3 =	sld [smem:$0x3FDB];
	s0 =	simm.s32 @p2 $0x1  }
0x17: {  	s4 =	simm.s32 $0x1BF5;
	[smem:$0x3FBC] =	sst s0  }
0x18: {  	s0 =	sld [smem:$0x3F9F];
	_ =	swait.ge [sflag:s4], $0x0  }
0x19: {  	s7 =	sld [smem:$0x3FA0]  }
0x1a: {  	s8 =	sadd.s32 $0xFFFFE003, lr  }
0x1b: {  	s9 =	sadd.s32 $0xFFFFFEF7, lr;
	s5 =	simm.s32 $0xFFFFFFFF;
	p2 =	slt.u32 s8, $0xFFFFF086  }
0x1c: {  	p1 =	slt.u32 s9, $0xF7A;
	s5 =	simm.s32 @!p2 $0x0  }
0x1d: {  	s5 =	simm.s32 @p1 $0x1;
	p0 =	seq.s32 s7, s2  }
0x1e: {  	s7 =	smul.u32 @!p0 $0xF7A, s2;
	p2 =	seq.s32 @!p0 s5, $0x0  }
0x1f: {  	s9 =	smul.u32 $0xF7A, s1;
	s8 =	simm.s32 @!p0 $0x1BF5;
	p2 =	por !p2, p0  }
0x20: {  	[sflag:s8] =	ssyncset.s32 @!p0 $0xFFFFF086;
	s6 =	sadd.s32 @!p0 s3, s7;
	s7 =	simm.s32 @!p0 $0x108  }
0x21: {  	s3 =	sadd.s32 s3, s9;
	s6 =	sadd.s32 @!p0 $0x88, s6;
	s7 =	simm.s32 @p2 $0x1082  }
0x22: {  	[simem:s7], [sflag:s8] =	dma.local @!p0 [hbm:s6], $0xF7A  }
0x23: {  	s9 =	sor.u32 $0xD0000000, s2;
	s6 =	simm.s32 $0x108;
	_ =	swait.ge @!p0 [sflag:s8], $0x0  }
0x24: {  	s3 =	sadd.s32 $0x88, s3;
	s6 =	simm.s32 @!p1 $0x1082;
	[sflag:s4] =	ssyncset.s32 $0xFFFFF086  }
0x25: {  	[simem:s6], [sflag:s4] =	dma.local [hbm:s3], $0xF7A  }
0x26: {  	[smem:$0x3FA0] =	sst s1;
	(tag) =	ssettag s2;
	_ =	strace s9  }
0x27: {  	s1 =	sld [smem:$0x3FB0]  }
0x28: {  	s2 =	sld [smem:$0x3FB1]  }
0x29: {  	s4 =	sld [smem:$0x3FB3]  }
0x2a: {  	p0 =	seq.s32 s5, $0x0;
	s5 =	sld [smem:$0x3FB4]  }
0x2b: {  	s6 =	sld [smem:$0x3FB5]  }
0x2c: {  	s7 =	sld [smem:$0x3FB6]  }
0x2d: {  	s3 =	simm.s32 $0x108;
	s8 =	sld [smem:$0x3FB7]  }
0x2e: {  	s3 =	simm.s32 @!p0 $0x1082;
	s9 =	sld [smem:$0x3FB8]  }
0x2f: {  	lr =	sadd.s32 s0, s3;
	s0 =	sld [smem:$0x3FAF]  }
0x30: {  	s3 =	sld [smem:$0x3FB2]  }
0x31: {  	[smem:$0x3FBB] =	sst s10  }
0x32: {  	s10 =	sld [smem:$0x3FB9];
	_ =	sdelay $0x3  }
0x33: {  	p0 =	seq.s32 s10, $0x1;
	s10 =	sld [smem:$0x3FBB];
	_ =	sdelay $0x3  }
0x34: {  	[smem:$0x3FBB] =	sst s10  }
0x35: {  	s10 =	sld [smem:$0x3FBA];
	_ =	sdelay $0x3  }
0x36: {  	p1 =	seq.s32 s10, $0x1;
	s10 =	sld [smem:$0x3FBB];
	_ =	sdelay $0x3  }
0x37: {  	[smem:$0x3FBB] =	sst s10  }
0x38: {  	s10 =	sld [smem:$0x3FBC]  }
0x39: {  	_ = 	snop;
	(pc) =	sbr.ind lr, $3  }
0x3a: {  	_ = 	snop  }
0x3b: {  	_ = 	snop  }
0x3c: {  	p2 =	seq.s32 s10, $0x1;
	s10 =	sld [smem:$0x3FBB]  }
0x3d: {  	_ =	shalt  }
0x3e: {  	_ =	shalt  }
0x3f: {  	_ =	shalt  }
0x40: {  	_ =	shalt  }
0x41: {  	_ =	shalt  }
0x42: {  	_ =	shalt  }
0x43: {  	_ =	shalt  }
0x44: {  	_ =	shalt  }
0x45: {  	_ =	shalt  }
0x46: {  	_ =	shalt  }
0x47: {  	_ =	shalt  }
0x48: {  	_ =	shalt  }
0x49: {  	_ =	shalt  }
0x4a: {  	_ =	shalt  }
0x4b: {  	_ =	shalt  }
0x4c: {  	_ =	shalt  }
0x4d: {  	_ =	shalt  }
0x4e: {  	_ =	shalt  }
0x4f: {  	_ =	shalt  }
0x50: {  	_ =	shalt  }
0x51: {  	_ =	shalt  }
0x52: {  	_ =	shalt  }
0x53: {  	_ =	shalt  }
0x54: {  	_ =	shalt  }
0x55: {  	_ =	shalt  }
0x56: {  	_ =	shalt  }
0x57: {  	_ =	shalt  }
0x58: {  	_ =	shalt  }
0x59: {  	_ =	shalt  }
0x5a: {  	_ =	shalt  }
0x5b: {  	_ =	shalt  }
0x5c: {  	_ =	shalt  }
0x5d: {  	_ =	shalt  }
0x5e: {  	_ =	shalt  }
0x5f: {  	_ =	shalt  }
0x60: {  	_ =	shalt  }
0x61: {  	_ =	shalt  }
0x62: {  	_ =	shalt  }
0x63: {  	_ =	shalt  }
0x64: {  	_ =	shalt  }
0x65: {  	_ =	shalt  }
0x66: {  	_ =	shalt  }
0x67: {  	_ =	shalt  }
0x68: {  	_ =	shalt  }
0x69: {  	_ =	shalt  }
0x6a: {  	_ =	shalt  }
0x6b: {  	_ =	shalt  }
0x6c: {  	_ =	shalt  }
0x6d: {  	_ =	shalt  }
0x6e: {  	_ =	shalt  }
0x6f: {  	_ =	shalt  }
0x70: {  	_ =	shalt  }
0x71: {  	_ =	shalt  }
0x72: {  	_ =	shalt  }
0x73: {  	_ =	shalt  }
0x74: {  	_ =	shalt  }
0x75: {  	_ =	shalt  }
0x76: {  	_ =	shalt  }
0x77: {  	_ =	shalt  }
0x78: {  	_ =	shalt  }
0x79: {  	_ =	shalt  }
0x7a: {  	_ =	shalt  }
0x7b: {  	_ =	shalt  }
0x7c: {  	_ =	shalt  }
0x7d: {  	_ =	shalt  }
0x7e: {  	_ =	shalt  }
0x7f: {  	_ =	shalt  }
0x80: {  	_ =	shalt  }
0x81: {  	_ =	shalt  }
0x82: {  	_ =	shalt  }
0x83: {  	_ =	shalt  }
0x84: {  	_ =	shalt  }
0x85: {  	_ =	shalt  }
0x86: {  	_ =	shalt  }
0x87: {  	_ =	shalt  }
.Lfunc_end0:
.L_simem_size_0:
called_computation_lowered:
.L_overlay_start_0:
0x88: {  	s2 =	sld [smem:$0x3FD9]  }
0x89: {  	s3 =	sld [smem:$0x3FFE];
	_ =	sdelay $0x1  }
0x8a: {  	s1 =	srdreg.scid  }
0x8b: {  	s0 =	sand.u32 $0x1, s1  }
0x8c: {  	s18 =	sshll.u32 s0, $0xA;
	s2 =	sadd.s32 s3, s2  }
0x8d: {  	s2 =	sadd.s32 s2, s18  }
0x8e: {  	[smem:$0x3FC7] =	sst s2  }
0x8f: {  	_ = 	snop  }
0x90: {  	s2 =	sld [smem:$0x3FC9]  }
0x91: {  	s19 =	sld [smem:$0x3FD0];
	(tm) =	ssettm $0x1  }
0x92: {  	s4 =	sld [smem:$0x3FFB];
	_ =	sdelay $0x3  }
0x93: {  	_ =	strace s4  }
0x94: {  	s4 =	sld [smem:$0x3FFC];
	_ =	sdelay $0x3  }
0x95: {  	_ =	strace s4  }
0x96: {  	s4 =	sld [smem:$0x3FFD];
	_ =	sdelay $0x3  }
0x97: {  	_ =	strace s4  }
0x98: {  	_ =	strace $0x8FFFFFFF  }
0x99: {  	s20 =	sld [smem:$0x3FDB];
	_ =	sdelay $0x1  }
0x9a: {  	s5 =	simm.s32 $_scs_section_size  }
0x9b: {  	s6 =	simm.s32 $_size__tile_overlayer_lowered;
	s7 =	simm.s32 $_tile_overlayer_lowered  }
0x9c: {  	s23 =	simm.s32 $0x1BFF;
	s22 =	sshll.u32 s7, $0x1;
	s4 =	sadd.s32 s5, s20  }
0x9d: {  	s8 =	simm.s32 $0x0;
	s21 =	sshll.u32 s6, $0x1;
	s6 =	sadd.s32 s22, s4  }
0x9e: {  	[timem:s8], [sflag:s23] =	dma.local [hbm:s6], s21  }
0x9f: {  	_ =	swait.ge [sflag:s23], s21  }
0xa0: {  	s5 =	ssub.s32 $0x0, s21;
	[sflag:s23] =	ssyncset.done $0x0  }
0xa1: {  	[sflag:s23] =	ssyncadd.s32 s5;
	_ =	sdelay $0x1  }
0xa2: {  	s24 =	simm.s32 $0x1B8B  }
0xa3: {  	_ =	swait.ge [sflag:s24], $0x1  }
0xa4: {  	[sflag:s24] =	ssyncset.done $0x0  }
0xa5: {  	s25 =	simm.s32 $0x1B8E;
	[sflag:s24] =	ssyncadd.s32 $0xFFFFFFFF  }
0xa6: {  	s26 =	simm.s32 $execute0_lowered;
	[smem:$0x3FD2] =	sst s25  }
0xa7: {  	s5 =	sshll.u32 s26, $0x1;
	_ =	strace $0x80000046;
	[dreg:$0x1] =	wrdreg $0xFFFFFFFF  }
0xa8: {  	s28 =	simm.s32 $_size_execute0_lowered;
	s4 =	sadd.s32 s4, s5;
	[dreg:$0x0] =	wrdreg $0x0  }
0xa9: {  	s5 =	sshll.u32 s28, $0x1;
	[dreg:$0x2] =	wrdreg s4  }
0xaa: {  	[dreg:$0x3] =	wrdreg s5  }
0xab: {  	[dreg:$0x4] =	wrdreg $0xC0  }
0xac: {  	_ =	task [dreg:s8], $0x5FFFF  }
0xad: {  	[dreg:$0x1] =	wrdreg $0xFFFFFFFF  }
0xae: {  	[dreg:$0x0] =	wrdreg $0x60  }
0xaf: {  	[dreg:$0x2] =	wrdreg s2  }
0xb0: {  	[dreg:$0x3] =	wrdreg s19  }
0xb1: {  	[dreg:$0x4] =	wrdreg $0x9  }
0xb2: {  	_ =	task.clear_ibuf [dreg:s8], $0x5FFFF;
	_ =	strace $0x90000046  }
0xb3: {  	s29 =	simm.s32 $0x9;
	_ =	strace $0x80000048  }
0xb4: {  	_ =	swait.ge [sflag:s29], $0x1  }
0xb5: {  	[sflag:s29] =	ssyncadd.s32 $0xFFFFFFFF  }
0xb6: {  	_ =	strace $0x90000048  }
0xb7: {  	_ =	sfence  }
0xb8: {  	s30 =	sld [smem:$0x0];
	_ =	sdelay $0x2  }
0xb9: {  	s31 =	sshll.u32 s1, $0xD;
	s1 =	sshrl.u32 s1, $0x2  }
0xba: {  	s3 =	sand.u32 $0x4000, s31;
	s1 =	sadd.s32 s1, s30  }
0xbb: {  	s0 =	sor.u32 s3, s0;
	s1 =	sshll.u32 s1, $0x11  }
0xbc: {  	s0 =	sor.u32 s1, s0  }
0xbd: {  	s0 =	sadd.s32 $0x8F2B, s0  }
0xbe: {  	[sflag:s0] =	ssyncadd.remote.s32 $0x1  }
0xbf: {  	_ =	sfence.sel $0xFFFF  }
0xc0: {  	[dreg:$0x0] =	wrdreg $0xFFFFFFFF;
	(pc) =	sbr.abs _section_cstart, $3  }
0xc1: {  	[dreg:$0x1] =	wrdreg $0xFFFFFFFF  }
0xc2: {  	_ =	task.clear_ibuf [dreg:s8], $0x2FFFF;
	_ =	strace $0x9FFFFFFF  }
0xc3: {  	(tm) =	ssettm $0x7FFFFFFF  }
tec
execute0_lowered:
.L_overlay_start_1:
0x0: {  	(tag) =	ssettag $0x1  }
0x1: {  	s21 =	rddreg [dreg:$0x0]  }
0x2: {  	s24 =	rddreg [dreg:$0x1];
	s2 =	srdreg.scid  }
0x3: {  	s0 =	rddreg [dreg:$0x2];
	s1 =	stileid.u32;
	s25 =	sand.u32 $0x1, s2  }
0x4: {  	s2 =	simm.s32 $0x0;
	s3 =	sshll.u32 s1, $0x10;
	s4 =	sshll.u32 s25, $0xF  }
0x5: {  	[smem:$0x7FF] =	sst s2;
	s22 =	sor.u32 s4, s3  }
0x6: {  	_ =	strace $0x80000047;
	s3 =	sadd.s32 s21, s22;
	s13 =	sor.u32 $0x1400, s22  }
0x7: {  	[tilespmem:s2], [sflag:$0x1] =	stream.linear.gather [hbm4b:s3+s2], $0xA000, $0x38;
	[tilespmem:$0x1E000] =	vst v63  }
0x8: {  	s5 =	simm.s32 $0xA000;
	s17 =	sor.u32 $0x2800, s22;
	s4 =	sadd.s32 s21, s13  }
0x9: {  	[tilespmem:s5], [sflag:$0x2] =	stream.linear.gather [hbm4b:s4+s2], $0xA000, $0x38;
	[tilespmem:$0x1E000] =	vst v63  }
0xa: {  	s7 =	simm.s32 $0x14000;
	s8 =	simm.s32 $0x1;
	s6 =	sadd.s32 s21, s17  }
0xb: {  	[tilespmem:s7], [sflag:$0x3] =	stream.linear.gather [hbm4b:s6+s2], $0xA000, $0x38;
	[tilespmem:$0x1E000] =	vst v63  }
0xc: {  	_ =	swait.ge [sflag:s8], $0xA000  }
0xd: {  	[sflag:s8] =	ssyncset.done $0x0  }
0xe: {  	s9 =	simm.s32 $0x4;
	s10 =	sadd.s32 s24, s22;
	[sflag:s8] =	ssyncadd.s32 $0xFFFF6000  }
0xf: {  	[hbm4b:s10+s2] =	stream.linear.scatter [tilespmem:s2], [sflag:$0x4], $0xA000, $0x38;
	[tilespmem:$0x1E000] =	vst v63  }
0x10: {  	_ =	swait.ge [sflag:s9], $0xA000  }
0x11: {  	s20 =	sor.u32 $0x3C00, s22;
	[sflag:s9] =	ssyncset.done $0x0  }
0x12: {  	s12 =	simm.s32 $0x2;
	s11 =	sadd.s32 s21, s20;
	[sflag:s9] =	ssyncadd.s32 $0xFFFF6000  }
0x13: {  	[tilespmem:s2], [sflag:$0x1] =	stream.linear.gather [hbm4b:s11+s2], $0xA000, $0x38;
	[tilespmem:$0x1E000] =	vst v63  }
0x14: {  	_ =	swait.ge [sflag:s12], $0xA000  }
0x15: {  	[sflag:s12] =	ssyncset.done $0x0  }
0x16: {  	s14 =	simm.s32 $0x5;
	s13 =	sadd.s32 s24, s13;
	[sflag:s12] =	ssyncadd.s32 $0xFFFF6000  }
0x17: {  	[hbm4b:s13+s2] =	stream.linear.scatter [tilespmem:s5], [sflag:$0x5], $0xA000, $0x38;
	[tilespmem:$0x1E000] =	vst v63  }
0x18: {  	_ =	swait.ge [sflag:s14], $0xA000  }
0x19: {  	s23 =	sor.u32 $0x5000, s22;
	[sflag:s14] =	ssyncset.done $0x0  }
0x1a: {  	s16 =	simm.s32 $0x3;
	s15 =	sadd.s32 s21, s23;
	[sflag:s14] =	ssyncadd.s32 $0xFFFF6000  }
0x1b: {  	[tilespmem:s5], [sflag:$0x2] =	stream.linear.gather [hbm4b:s15+s2], $0xA000, $0x38;
	[tilespmem:$0x1E000] =	vst v63  }
0x1c: {  	_ =	swait.ge [sflag:s16], $0xA000  }
0x1d: {  	[sflag:s16] =	ssyncset.done $0x0  }
0x1e: {  	s18 =	simm.s32 $0x6;
	s17 =	sadd.s32 s24, s17;
	[sflag:s16] =	ssyncadd.s32 $0xFFFF6000  }
0x1f: {  	[hbm4b:s17+s2] =	stream.linear.scatter [tilespmem:s7], [sflag:$0x6], $0xA000, $0x38;
	[tilespmem:$0x1E000] =	vst v63  }
0x20: {  	_ =	swait.ge [sflag:s18], $0xA000  }
0x21: {  	s26 =	sor.u32 $0x6400, s22;
	[sflag:s18] =	ssyncset.done $0x0  }
0x22: {  	s19 =	sadd.s32 s21, s26;
	[sflag:s18] =	ssyncadd.s32 $0xFFFF6000  }
0x23: {  	[tilespmem:s7], [sflag:$0x3] =	stream.linear.gather [hbm4b:s19+s2], $0xA000, $0x38;
	[tilespmem:$0x1E000] =	vst v63  }
0x24: {  	_ =	swait.ge [sflag:s8], $0xA000  }
0x25: {  	[sflag:s8] =	ssyncset.done $0x0  }
0x26: {  	s20 =	sadd.s32 s24, s20;
	[sflag:s8] =	ssyncadd.s32 $0xFFFF6000  }
0x27: {  	[hbm4b:s20+s2] =	stream.linear.scatter [tilespmem:s2], [sflag:$0x4], $0xA000, $0x38;
	[tilespmem:$0x1E000] =	vst v63  }
0x28: {  	_ =	swait.ge [sflag:s9], $0xA000  }
0x29: {  	s28 =	sor.u32 $0x7800, s22;
	[sflag:s9] =	ssyncset.done $0x0  }
0x2a: {  	s21 =	sadd.s32 s21, s28;
	[sflag:s9] =	ssyncadd.s32 $0xFFFF6000  }
0x2b: {  	[tilespmem:s2], [sflag:$0x1] =	stream.linear.gather [hbm4b:s21+s2], $0x4000, $0x38;
	[tilespmem:$0x1E000] =	vst v63  }
0x2c: {  	_ =	swait.ge [sflag:s12], $0xA000  }
0x2d: {  	[sflag:s12] =	ssyncset.done $0x0  }
0x2e: {  	s22 =	sadd.s32 s24, s23;
	[sflag:s12] =	ssyncadd.s32 $0xFFFF6000  }
0x2f: {  	[hbm4b:s22+s2] =	stream.linear.scatter [tilespmem:s5], [sflag:$0x5], $0xA000, $0x38;
	[tilespmem:$0x1E000] =	vst v63  }
0x30: {  	_ =	swait.ge [sflag:s16], $0xA000  }
0x31: {  	[sflag:s16] =	ssyncset.done $0x0  }
0x32: {  	s23 =	sadd.s32 s24, s26;
	[sflag:s16] =	ssyncadd.s32 $0xFFFF6000  }
0x33: {  	[hbm4b:s23+s2] =	stream.linear.scatter [tilespmem:s7], [sflag:$0x6], $0xA000, $0x38;
	[tilespmem:$0x1E000] =	vst v63  }
0x34: {  	_ =	swait.ge [sflag:s8], $0x4000  }
0x35: {  	s25 =	ssub.s32 $0x2, s25;
	[sflag:s8] =	ssyncset.done $0x0  }
0x36: {  	s31 =	sshrl.u32 s25, $0x1;
	s24 =	sadd.s32 s24, s28;
	[sflag:s8] =	ssyncadd.s32 $0xFFFFC000  }
0x37: {  	[hbm4b:s24+s2] =	stream.linear.scatter [tilespmem:s2], [sflag:$0x4], $0x4000, $0x38;
	[tilespmem:$0x1E000] =	vst v63  }
0x38: {  	s25 =	ssub.s32 s25, s31;
	_ =	swait.ge [sflag:s14], $0xA000  }
0x39: {  	s25 =	smax.u32 s25, $0x1;
	[sflag:s14] =	ssyncset.done $0x0  }
0x3a: {  	p0 =	sne.s32 s25, $0x1;
	[sflag:s14] =	ssyncadd.s32 $0xFFFF6000  }
.Ltmp0:
0x3b: {  	_ =	swait.ge [sflag:s18], $0xA000;
	(pc) =	sbr.rel @!p0 .LBB2_2-.Ltmp0, $4  }
0x3c: {  	[sflag:s18] =	ssyncset.done $0x0  }
0x3d: {  	[sflag:s18] =	ssyncadd.s32 $0xFFFF6000  }
0x3e: {  	_ =	swait.ge [sflag:s9], $0x4000  }
0x3f: {  	s25 =	sadd.s32 $0xFFFFFFFF, s25;
	[sflag:s9] =	ssyncset.done $0x0  }
.LBB2_1:
0x40: {  	p0 =	sne.s32 s25, $0x1;
	s25 =	sadd.s32 $0xFFFFFFFF, s25;
	[sflag:s9] =	ssyncadd.s32 $0xFFFFC000  }
0x41: {  	[tilespmem:s2], [sflag:$0x1] =	stream.linear.gather [hbm4b:s3+s2], $0xA000, $0x38;
	[tilespmem:$0x1E000] =	vst v63  }
0x42: {  	_ = 	snop  }
0x43: {  	[tilespmem:s5], [sflag:$0x2] =	stream.linear.gather [hbm4b:s4+s2], $0xA000, $0x38;
	[tilespmem:$0x1E000] =	vst v63  }
0x44: {  	_ = 	snop  }
0x45: {  	[tilespmem:s7], [sflag:$0x3] =	stream.linear.gather [hbm4b:s6+s2], $0xA000, $0x38;
	[tilespmem:$0x1E000] =	vst v63  }
0x46: {  	_ =	swait.ge [sflag:s8], $0xA000  }
0x47: {  	[sflag:s8] =	ssyncset.done $0x0  }
0x48: {  	[sflag:s8] =	ssyncadd.s32 $0xFFFF6000  }
0x49: {  	[hbm4b:s10+s2] =	stream.linear.scatter [tilespmem:s2], [sflag:$0x4], $0xA000, $0x38;
	[tilespmem:$0x1E000] =	vst v63  }
0x4a: {  	_ =	swait.ge [sflag:s9], $0xA000  }
0x4b: {  	[sflag:s9] =	ssyncset.done $0x0  }
0x4c: {  	[sflag:s9] =	ssyncadd.s32 $0xFFFF6000  }
0x4d: {  	[tilespmem:s2], [sflag:$0x1] =	stream.linear.gather [hbm4b:s11+s2], $0xA000, $0x38;
	[tilespmem:$0x1E000] =	vst v63  }
0x4e: {  	_ =	swait.ge [sflag:s12], $0xA000  }
0x4f: {  	[sflag:s12] =	ssyncset.done $0x0  }
0x50: {  	[sflag:s12] =	ssyncadd.s32 $0xFFFF6000  }
0x51: {  	[hbm4b:s13+s2] =	stream.linear.scatter [tilespmem:s5], [sflag:$0x5], $0xA000, $0x38;
	[tilespmem:$0x1E000] =	vst v63  }
0x52: {  	_ =	swait.ge [sflag:s14], $0xA000  }
0x53: {  	[sflag:s14] =	ssyncset.done $0x0  }
0x54: {  	[sflag:s14] =	ssyncadd.s32 $0xFFFF6000  }
0x55: {  	[tilespmem:s5], [sflag:$0x2] =	stream.linear.gather [hbm4b:s15+s2], $0xA000, $0x38;
	[tilespmem:$0x1E000] =	vst v63  }
0x56: {  	_ =	swait.ge [sflag:s16], $0xA000  }
0x57: {  	[sflag:s16] =	ssyncset.done $0x0  }
0x58: {  	[sflag:s16] =	ssyncadd.s32 $0xFFFF6000  }
0x59: {  	[hbm4b:s17+s2] =	stream.linear.scatter [tilespmem:s7], [sflag:$0x6], $0xA000, $0x38;
	[tilespmem:$0x1E000] =	vst v63  }
0x5a: {  	_ =	swait.ge [sflag:s18], $0xA000  }
0x5b: {  	[sflag:s18] =	ssyncset.done $0x0  }
0x5c: {  	[sflag:s18] =	ssyncadd.s32 $0xFFFF6000  }
0x5d: {  	[tilespmem:s7], [sflag:$0x3] =	stream.linear.gather [hbm4b:s19+s2], $0xA000, $0x38;
	[tilespmem:$0x1E000] =	vst v63  }
0x5e: {  	_ =	swait.ge [sflag:s8], $0xA000  }
0x5f: {  	[sflag:s8] =	ssyncset.done $0x0  }
0x60: {  	[sflag:s8] =	ssyncadd.s32 $0xFFFF6000  }
0x61: {  	[hbm4b:s20+s2] =	stream.linear.scatter [tilespmem:s2], [sflag:$0x4], $0xA000, $0x38;
	[tilespmem:$0x1E000] =	vst v63  }
0x62: {  	_ =	swait.ge [sflag:s9], $0xA000  }
0x63: {  	[sflag:s9] =	ssyncset.done $0x0  }
0x64: {  	[sflag:s9] =	ssyncadd.s32 $0xFFFF6000  }
0x65: {  	[tilespmem:s2], [sflag:$0x1] =	stream.linear.gather [hbm4b:s21+s2], $0x4000, $0x38;
	[tilespmem:$0x1E000] =	vst v63  }
0x66: {  	_ =	swait.ge [sflag:s12], $0xA000  }
0x67: {  	[sflag:s12] =	ssyncset.done $0x0  }
0x68: {  	[sflag:s12] =	ssyncadd.s32 $0xFFFF6000  }
0x69: {  	[hbm4b:s22+s2] =	stream.linear.scatter [tilespmem:s5], [sflag:$0x5], $0xA000, $0x38;
	[tilespmem:$0x1E000] =	vst v63  }
0x6a: {  	_ =	swait.ge [sflag:s16], $0xA000  }
0x6b: {  	[sflag:s16] =	ssyncset.done $0x0  }
0x6c: {  	[sflag:s16] =	ssyncadd.s32 $0xFFFF6000  }
0x6d: {  	[hbm4b:s23+s2] =	stream.linear.scatter [tilespmem:s7], [sflag:$0x6], $0xA000, $0x38;
	[tilespmem:$0x1E000] =	vst v63  }
0x6e: {  	_ =	swait.ge [sflag:s8], $0x4000  }
0x6f: {  	[sflag:s8] =	ssyncset.done $0x0  }
0x70: {  	[sflag:s8] =	ssyncadd.s32 $0xFFFFC000  }
0x71: {  	[hbm4b:s24+s2] =	stream.linear.scatter [tilespmem:s2], [sflag:$0x4], $0x4000, $0x38;
	[tilespmem:$0x1E000] =	vst v63  }
0x72: {  	_ =	swait.ge [sflag:s14], $0xA000  }
0x73: {  	[sflag:s14] =	ssyncset.done $0x0  }
0x74: {  	[sflag:s14] =	ssyncadd.s32 $0xFFFF6000  }
.Ltmp1:
0x75: {  	_ =	swait.ge [sflag:s18], $0xA000;
	(pc) =	sbr.rel @p0 .LBB2_1-.Ltmp1, $4  }
0x76: {  	[sflag:s18] =	ssyncset.done $0x0  }
0x77: {  	[sflag:s18] =	ssyncadd.s32 $0xFFFF6000  }
0x78: {  	_ =	swait.ge [sflag:s9], $0x4000  }
0x79: {  	[sflag:s9] =	ssyncset.done $0x0  }
.LBB2_2:
0x7a: {  	[sflag:s9] =	ssyncadd.s32 $0xFFFFC000  }
0x7b: {  	_ =	sfence.sel $0x180000  }
0x7c: {  	[bflag:$0x0] =	sbarrier.arrive $0xFFFF  }
0x7d: {  	p0 =	sne.s32 s1, $0x0;
	_ =	strace $0x90000047  }
0x7e: {  	s0 =	sadd.s32 @!p0 $0x100000, s0;
	[bflag:$0x2] =	sbarrier.arrive $0xFFFF  }
0x7f: {  	[sflag:s0] =	ssyncadd.tile.s32 @!p0 $0x1;
	_ =	shalt  }
.Lfunc_end2:
_tile_overlayer_lowered:
.L_overlay_start_2:
0x80: {  	(tag) =	ssettag $0x2  }
0x81: {  	s0 =	rddreg [dreg:$0x0];
	s2 =	stileid.u32  }
0x82: {  	s1 =	rddreg [dreg:$0x1];
	p0 =	sne.s32 s2, $0x0  }
0x83: {  	s3 =	rddreg [dreg:$0x2];
	[bflag:$0x3] =	sbarrier.arrive $0xFFFF;
	s2 =	simm.s32 @!p0 $0x1C07  }
0x84: {  	[timem:s3], [sflag:s2] =	dma.local @!p0 [hbm:s0], s1  }
0x85: {  	s0 =	simm.s32 @!p0 $0x7  }
0x86: {  	_ =	swait.ge @!p0 [sflag:s0], s1  }
0x87: {  	s1 =	ssub.s32 @!p0 $0x0, s1;
	[sflag:s0] =	ssyncset.done @!p0 $0x0  }
0x88: {  	[sflag:s0] =	ssyncadd.s32 @!p0 s1  }
0x89: {  	[bflag:$0x3] =	sbarrier.arrive $0xFFFF  }
0x8a: {  	_ =	shalt  }

</sc_bundles>
